<compile_context>
chip_gen: v7x
topology: tpu7x:2x2x1
jax: 0.10.2.dev20260603
libtpu: 0.0.44.dev20260713+nightly
codegen_flags: <defaults>
</compile_context>

<pallas_src>
import functools

import jax
import jax.numpy as jnp
from jax import lax
from jax.experimental import pallas as pl
from jax.experimental.pallas import tpu as pltpu
from jax.experimental.pallas import tpu_sc as plsc

B = 16384
D = 128
CONTENT = 384

_NC = 2
_NS = 16
_NW = _NC * _NS
_B_PER_W = B // _NW


def _sc_gather(user_table, item_table, user_id, item_id):
    mesh = plsc.VectorSubcoreMesh(core_axis_name="c", subcore_axis_name="s")
    n = user_id.shape[0]
    b_per_w = n // _NW

    @functools.partial(
        pl.kernel,
        mesh=mesh,
        out_type=(
            jax.ShapeDtypeStruct((n, D), jnp.float32),
            jax.ShapeDtypeStruct((n, D), jnp.float32),
        ),
        scratch_types=[
            pltpu.VMEM((b_per_w,), jnp.int32),
            pltpu.VMEM((b_per_w, D), jnp.float32),
            pltpu.SemaphoreType.DMA,
        ],
    )
    def k(ut_hbm, it_hbm, uid_hbm, iid_hbm, uo_hbm, io_hbm, idx_v, rows_v, sem):
        wid = lax.axis_index("s") * _NC + lax.axis_index("c")
        base = wid * b_per_w
        pltpu.sync_copy(uid_hbm.at[pl.ds(base, b_per_w)], idx_v)
        pltpu.async_copy(ut_hbm.at[idx_v], rows_v, sem).wait()
        pltpu.sync_copy(rows_v, uo_hbm.at[pl.ds(base, b_per_w)])
        pltpu.sync_copy(iid_hbm.at[pl.ds(base, b_per_w)], idx_v)
        pltpu.async_copy(it_hbm.at[idx_v], rows_v, sem).wait()
        pltpu.sync_copy(rows_v, io_hbm.at[pl.ds(base, b_per_w)])

    return k(user_table, item_table, user_id, item_id)


def _dot3(x, w):
    return jnp.dot(x, w, preferred_element_type=jnp.float32)


def _towers_body(u_ref, it_ref, c_ref, wu1_ref, bu1_ref, wu2_ref, bu2_ref,
                 wi1a_ref, wi1b_ref, bi1_ref, wi2_ref, bi2_ref, t_ref, o_ref):
    hu = _dot3(u_ref[...], wu1_ref[...])
    hu = jnp.maximum(hu + bu1_ref[...], 0.0)
    uv = _dot3(hu, wu2_ref[...]) + bu2_ref[...]
    uv = uv * lax.rsqrt(jnp.maximum(jnp.sum(uv * uv, axis=1, keepdims=True), 1e-12))
    hi = _dot3(it_ref[...], wi1a_ref[...]) + _dot3(c_ref[...], wi1b_ref[...])
    hi = jnp.maximum(hi + bi1_ref[...], 0.0)
    iv2 = _dot3(hi, wi2_ref[...]) + bi2_ref[...]
    iv2 = iv2 * lax.rsqrt(jnp.maximum(jnp.sum(iv2 * iv2, axis=1, keepdims=True), 1e-12))
    prod_t = jnp.transpose(uv * iv2)
    sim = jnp.sum(prod_t, axis=0, keepdims=True)
    o_ref[...] = jax.nn.sigmoid(sim / t_ref[0, 0])


def _towers(u_rows, i_rows, content, Wu1, bu1, Wu2, bu2, Wi1a, Wi1b, bi1,
            Wi2, bi2, temperature, bm=4096, interpret=False):
    n = u_rows.shape[0]
    grid = (n // bm,)
    row = lambda i: (i, 0)
    full = lambda i: (0, 0)
    out = pl.pallas_call(
        _towers_body,
        grid=grid,
        in_specs=[
            pl.BlockSpec((bm, D), row),
            pl.BlockSpec((bm, D), row),
            pl.BlockSpec((bm, CONTENT), row),
            pl.BlockSpec((D, 128), full),
            pl.BlockSpec((1, 128), full),
            pl.BlockSpec((128, D), full),
            pl.BlockSpec((1, D), full),
            pl.BlockSpec((D, 256), full),
            pl.BlockSpec((CONTENT, 256), full),
            pl.BlockSpec((1, 256), full),
            pl.BlockSpec((256, D), full),
            pl.BlockSpec((1, D), full),
            pl.BlockSpec((1, 1), full),
        ],
        out_specs=pl.BlockSpec((1, bm), lambda i: (0, i)),
        out_shape=jax.ShapeDtypeStruct((1, n), jnp.float32),
        compiler_params=pltpu.CompilerParams(
            dimension_semantics=("parallel",)),
        interpret=interpret,
    )(u_rows, i_rows, content, Wu1, bu1, Wu2, bu2, Wi1a, Wi1b, bi1,
      Wi2, bi2, temperature)
    return out.reshape(n, 1)


@jax.jit
def kernel(user_id, item_id, content_embedding, user_table, item_table,
           Wu1, bu1, Wu2, bu2, Wi1, bi1, Wi2, bi2, temperature):
    uid = jnp.asarray(user_id, jnp.int32)
    iid = jnp.asarray(item_id, jnp.int32)
    u_rows, i_rows = _sc_gather(user_table, item_table, uid, iid)
    return _towers(
        u_rows, i_rows, content_embedding,
        Wu1, bu1.reshape(1, -1), Wu2, bu2.reshape(1, -1),
        Wi1[:D], Wi1[D:], bi1.reshape(1, -1), Wi2, bi2.reshape(1, -1),
        temperature.reshape(1, 1),
    )

# --- scband reference (transcript-rebuilt; emitter-appended) ---
"""Pipeline reference for scband-two-tower-model-65584150610207 (READ-ONLY COPY).

The authoritative reference and input builder live on the scoring server;
editing this copy changes nothing except your own understanding.
"""

import jax, jax.numpy as jnp
import numpy as np

NUM_USERS = 100000
NUM_ITEMS = 100000
D = 128
CONTENT = 384
B = 16384


def _l2_normalize(x):
    return x * jax.lax.rsqrt(jnp.maximum(jnp.sum(x * x, axis=1, keepdims=True), 1e-12))


def setup_inputs(seed: int = 0) -> dict:
    key = jax.random.key(seed)
    ks = jax.random.split(key, 14)
    user_id = jax.random.randint(ks[0], (B,), 0, NUM_USERS)
    item_id = jax.random.randint(ks[1], (B,), 0, NUM_ITEMS)
    content_embedding = jax.random.normal(ks[2], (B, CONTENT), dtype=jnp.float32)
    user_table = jax.random.normal(ks[3], (NUM_USERS, D), dtype=jnp.float32) * 0.05
    item_table = jax.random.normal(ks[4], (NUM_ITEMS, D), dtype=jnp.float32) * 0.05
    Wu1 = jax.random.normal(ks[5], (D, 128), dtype=jnp.float32) * (1.0 / np.sqrt(D))
    bu1 = jnp.zeros((128,), dtype=jnp.float32)
    Wu2 = jax.random.normal(ks[6], (128, D), dtype=jnp.float32) * (1.0 / np.sqrt(128))
    bu2 = jnp.zeros((D,), dtype=jnp.float32)
    Wi1 = jax.random.normal(ks[7], (D + CONTENT, 256), dtype=jnp.float32) * (1.0 / np.sqrt(D + CONTENT))
    bi1 = jnp.zeros((256,), dtype=jnp.float32)
    Wi2 = jax.random.normal(ks[8], (256, D), dtype=jnp.float32) * (1.0 / np.sqrt(256))
    bi2 = jnp.zeros((D,), dtype=jnp.float32)
    temperature = jnp.asarray(0.05, dtype=jnp.float32)
    return {
        'user_id': user_id,
        'item_id': item_id,
        'content_embedding': content_embedding,
        'user_table': user_table,
        'item_table': item_table,
        'Wu1': Wu1, 'bu1': bu1, 'Wu2': Wu2, 'bu2': bu2,
        'Wi1': Wi1, 'bi1': bi1, 'Wi2': Wi2, 'bi2': bi2,
        'temperature': temperature,
    }


def reference(user_id, item_id, content_embedding, user_table, item_table,
              Wu1, bu1, Wu2, bu2, Wi1, bi1, Wi2, bi2, temperature):
    # user tower
    u = jnp.take(user_table, user_id, axis=0)
    hu = jax.nn.relu(u @ Wu1 + bu1)
    uv = hu @ Wu2 + bu2
    uv = _l2_normalize(uv)
    # item tower (item embedding concat content embedding)
    iv = jnp.take(item_table, item_id, axis=0)
    iv = jnp.concatenate([iv, content_embedding], axis=-1)
    hi = jax.nn.relu(iv @ Wi1 + bi1)
    iv2 = hi @ Wi2 + bi2
    iv2 = _l2_normalize(iv2)
    sim = jnp.sum(uv * iv2, axis=-1, keepdims=True)
    score = jax.nn.sigmoid(sim / temperature)
    return score

if __name__ == "__main__":
    import jax
    _d = setup_inputs()
    print(jax.jit(kernel)(*tuple(_d.values())))

</pallas_src>

<mosaic_0001>
#map = affine_map<(d0, d1) -> (0, 0)>
#map1 = affine_map<(d0, d1) -> (0)>
module attributes {stable_mosaic.version = 14 : i64} {
  func.func @k(%arg0: i32, %arg1: i32, %arg2: memref<100000x128xf32, #tpu.memory_space<hbm>>, %arg3: memref<100000x128xf32, #tpu.memory_space<hbm>>, %arg4: memref<16384xi32, #tpu.memory_space<hbm>>, %arg5: memref<16384xi32, #tpu.memory_space<hbm>>, %arg6: memref<16384x128xf32, #tpu.memory_space<hbm>>, %arg7: memref<16384x128xf32, #tpu.memory_space<hbm>>, %arg8: memref<512xi32, #tpu.memory_space<vmem>>, %arg9: memref<512x128xf32, #tpu.memory_space<vmem>>, %arg10: memref<!tpu.dma_semaphore, #tpu.memory_space<semaphore_mem>>) attributes {dimension_semantics = [#tpu.dimension_semantics<core_parallel>, #tpu.dimension_semantics<subcore_parallel>], iteration_bounds = array<i64: 2, 16>, scalar_prefetch = 0 : i64, scratch_operands = 3 : i64, tpu.core_type = #tpu.core_type<sc_vector_subcore>, window_params = [{transform_indices = #map}, {transform_indices = #map}, {transform_indices = #map1}, {transform_indices = #map1}, {transform_indices = #map}, {transform_indices = #map}]} {
    %mul3A = arith.constant 2 : i32
    %mul3A_0 = arith.muli %arg1, %mul3A : i32
    %add3A = arith.addi %mul3A_0, %arg0 : i32
    %mul3A_1 = arith.constant 512 : i32
    %mul3A_2 = arith.muli %add3A, %mul3A_1 : i32
    "tpu.region"() ({
      %run_scoped3A = tpu.sem_alloc : memref<!tpu.dma_semaphore, #tpu.memory_space<semaphore_mem>>
      %dma_start3A_13 = tpu.memref_slice %arg4[%mul3A_2] : memref<16384xi32, #tpu.memory_space<hbm>> -> memref<512xi32, #tpu.memory_space<hbm>>
      %dma_start3A_14 = tpu.memref_slice %arg4[%mul3A_2] : memref<16384xi32, #tpu.memory_space<hbm>> -> memref<512xi32, #tpu.memory_space<hbm>>
      tpu.enqueue_dma source(%dma_start3A_14 : memref<512xi32, #tpu.memory_space<hbm>>) target(%arg8 : memref<512xi32, #tpu.memory_space<vmem>>) target_semaphore(%run_scoped3A : memref<!tpu.dma_semaphore, #tpu.memory_space<semaphore_mem>>)
      %dma_wait3A_15 = tpu.memref_slice %arg4[%mul3A_2] : memref<16384xi32, #tpu.memory_space<hbm>> -> memref<512xi32, #tpu.memory_space<hbm>>
      %dma_wait3A_16 = tpu.memref_slice %arg4[%mul3A_2] : memref<16384xi32, #tpu.memory_space<hbm>> -> memref<512xi32, #tpu.memory_space<hbm>>
      tpu.wait_dma2 semaphore(%run_scoped3A : memref<!tpu.dma_semaphore, #tpu.memory_space<semaphore_mem>>) src(%dma_wait3A_16 : memref<512xi32, #tpu.memory_space<hbm>>) dst(%arg8 : memref<512xi32, #tpu.memory_space<vmem>>)
      tpu.yield
    }) : () -> ()
    %dma_start3A = arith.constant 0 : i32
    %dma_start3A_3 = arith.constant 0 : i32
    %dma_start3A_4 = tpu.memref_slice %arg2[%dma_start3A, %dma_start3A_3] : memref<100000x128xf32, #tpu.memory_space<hbm>> -> memref<100000x128xf32, #tpu.memory_space<hbm>>
    tpu.enqueue_indirect_dma source(%dma_start3A_4 : memref<100000x128xf32, #tpu.memory_space<hbm>>) target(%arg9 : memref<512x128xf32, #tpu.memory_space<vmem>>) offsets(%arg8 : memref<512xi32, #tpu.memory_space<vmem>>) semaphore(%arg10 : memref<!tpu.dma_semaphore, #tpu.memory_space<semaphore_mem>>)
    %dma_wait3A = arith.constant 0 : i32
    %dma_wait3A_5 = arith.constant 0 : i32
    %dma_wait3A_6 = tpu.memref_slice %arg2[%dma_wait3A, %dma_wait3A_5] : memref<100000x128xf32, #tpu.memory_space<hbm>> -> memref<100000x128xf32, #tpu.memory_space<hbm>>
    tpu.wait_indirect_dma semaphore(%arg10 : memref<!tpu.dma_semaphore, #tpu.memory_space<semaphore_mem>>) src(%dma_wait3A_6 : memref<100000x128xf32, #tpu.memory_space<hbm>>) dst(%arg9 : memref<512x128xf32, #tpu.memory_space<vmem>>)
    "tpu.region"() ({
      %run_scoped3A = tpu.sem_alloc : memref<!tpu.dma_semaphore, #tpu.memory_space<semaphore_mem>>
      %dma_start3A_13 = arith.constant 0 : i32
      %dma_start3A_14 = tpu.memref_slice %arg6[%mul3A_2, %dma_start3A_13] : memref<16384x128xf32, #tpu.memory_space<hbm>> -> memref<512x128xf32, #tpu.memory_space<hbm>>
      %dma_start3A_15 = arith.constant 0 : i32
      %dma_start3A_16 = tpu.memref_slice %arg6[%mul3A_2, %dma_start3A_15] : memref<16384x128xf32, #tpu.memory_space<hbm>> -> memref<512x128xf32, #tpu.memory_space<hbm>>
      tpu.enqueue_dma source(%arg9 : memref<512x128xf32, #tpu.memory_space<vmem>>) target(%dma_start3A_16 : memref<512x128xf32, #tpu.memory_space<hbm>>) target_semaphore(%run_scoped3A : memref<!tpu.dma_semaphore, #tpu.memory_space<semaphore_mem>>)
      %dma_wait3A_17 = arith.constant 0 : i32
      %dma_wait3A_18 = tpu.memref_slice %arg6[%mul3A_2, %dma_wait3A_17] : memref<16384x128xf32, #tpu.memory_space<hbm>> -> memref<512x128xf32, #tpu.memory_space<hbm>>
      %dma_wait3A_19 = arith.constant 0 : i32
      %dma_wait3A_20 = tpu.memref_slice %arg6[%mul3A_2, %dma_wait3A_19] : memref<16384x128xf32, #tpu.memory_space<hbm>> -> memref<512x128xf32, #tpu.memory_space<hbm>>
      tpu.wait_dma2 semaphore(%run_scoped3A : memref<!tpu.dma_semaphore, #tpu.memory_space<semaphore_mem>>) src(%arg9 : memref<512x128xf32, #tpu.memory_space<vmem>>) dst(%dma_wait3A_20 : memref<512x128xf32, #tpu.memory_space<hbm>>)
      tpu.yield
    }) : () -> ()
    "tpu.region"() ({
      %run_scoped3A = tpu.sem_alloc : memref<!tpu.dma_semaphore, #tpu.memory_space<semaphore_mem>>
      %dma_start3A_13 = tpu.memref_slice %arg5[%mul3A_2] : memref<16384xi32, #tpu.memory_space<hbm>> -> memref<512xi32, #tpu.memory_space<hbm>>
      %dma_start3A_14 = tpu.memref_slice %arg5[%mul3A_2] : memref<16384xi32, #tpu.memory_space<hbm>> -> memref<512xi32, #tpu.memory_space<hbm>>
      tpu.enqueue_dma source(%dma_start3A_14 : memref<512xi32, #tpu.memory_space<hbm>>) target(%arg8 : memref<512xi32, #tpu.memory_space<vmem>>) target_semaphore(%run_scoped3A : memref<!tpu.dma_semaphore, #tpu.memory_space<semaphore_mem>>)
      %dma_wait3A_15 = tpu.memref_slice %arg5[%mul3A_2] : memref<16384xi32, #tpu.memory_space<hbm>> -> memref<512xi32, #tpu.memory_space<hbm>>
      %dma_wait3A_16 = tpu.memref_slice %arg5[%mul3A_2] : memref<16384xi32, #tpu.memory_space<hbm>> -> memref<512xi32, #tpu.memory_space<hbm>>
      tpu.wait_dma2 semaphore(%run_scoped3A : memref<!tpu.dma_semaphore, #tpu.memory_space<semaphore_mem>>) src(%dma_wait3A_16 : memref<512xi32, #tpu.memory_space<hbm>>) dst(%arg8 : memref<512xi32, #tpu.memory_space<vmem>>)
      tpu.yield
    }) : () -> ()
    %dma_start3A_7 = arith.constant 0 : i32
    %dma_start3A_8 = arith.constant 0 : i32
    %dma_start3A_9 = tpu.memref_slice %arg3[%dma_start3A_7, %dma_start3A_8] : memref<100000x128xf32, #tpu.memory_space<hbm>> -> memref<100000x128xf32, #tpu.memory_space<hbm>>
    tpu.enqueue_indirect_dma source(%dma_start3A_9 : memref<100000x128xf32, #tpu.memory_space<hbm>>) target(%arg9 : memref<512x128xf32, #tpu.memory_space<vmem>>) offsets(%arg8 : memref<512xi32, #tpu.memory_space<vmem>>) semaphore(%arg10 : memref<!tpu.dma_semaphore, #tpu.memory_space<semaphore_mem>>)
    %dma_wait3A_10 = arith.constant 0 : i32
    %dma_wait3A_11 = arith.constant 0 : i32
    %dma_wait3A_12 = tpu.memref_slice %arg3[%dma_wait3A_10, %dma_wait3A_11] : memref<100000x128xf32, #tpu.memory_space<hbm>> -> memref<100000x128xf32, #tpu.memory_space<hbm>>
    tpu.wait_indirect_dma semaphore(%arg10 : memref<!tpu.dma_semaphore, #tpu.memory_space<semaphore_mem>>) src(%dma_wait3A_12 : memref<100000x128xf32, #tpu.memory_space<hbm>>) dst(%arg9 : memref<512x128xf32, #tpu.memory_space<vmem>>)
    "tpu.region"() ({
      %run_scoped3A = tpu.sem_alloc : memref<!tpu.dma_semaphore, #tpu.memory_space<semaphore_mem>>
      %dma_start3A_13 = arith.constant 0 : i32
      %dma_start3A_14 = tpu.memref_slice %arg7[%mul3A_2, %dma_start3A_13] : memref<16384x128xf32, #tpu.memory_space<hbm>> -> memref<512x128xf32, #tpu.memory_space<hbm>>
      %dma_start3A_15 = arith.constant 0 : i32
      %dma_start3A_16 = tpu.memref_slice %arg7[%mul3A_2, %dma_start3A_15] : memref<16384x128xf32, #tpu.memory_space<hbm>> -> memref<512x128xf32, #tpu.memory_space<hbm>>
      tpu.enqueue_dma source(%arg9 : memref<512x128xf32, #tpu.memory_space<vmem>>) target(%dma_start3A_16 : memref<512x128xf32, #tpu.memory_space<hbm>>) target_semaphore(%run_scoped3A : memref<!tpu.dma_semaphore, #tpu.memory_space<semaphore_mem>>)
      %dma_wait3A_17 = arith.constant 0 : i32
      %dma_wait3A_18 = tpu.memref_slice %arg7[%mul3A_2, %dma_wait3A_17] : memref<16384x128xf32, #tpu.memory_space<hbm>> -> memref<512x128xf32, #tpu.memory_space<hbm>>
      %dma_wait3A_19 = arith.constant 0 : i32
      %dma_wait3A_20 = tpu.memref_slice %arg7[%mul3A_2, %dma_wait3A_19] : memref<16384x128xf32, #tpu.memory_space<hbm>> -> memref<512x128xf32, #tpu.memory_space<hbm>>
      tpu.wait_dma2 semaphore(%run_scoped3A : memref<!tpu.dma_semaphore, #tpu.memory_space<semaphore_mem>>) src(%arg9 : memref<512x128xf32, #tpu.memory_space<vmem>>) dst(%dma_wait3A_20 : memref<512x128xf32, #tpu.memory_space<hbm>>)
      tpu.yield
    }) : () -> ()
    return
  }
}

module attributes {stable_mosaic.version = 14 : i64} {
  func.func @_towers_body(%arg0: i32, %arg1: memref<4096x128xf32, #tpu.memory_space<vmem>>, %arg2: memref<4096x128xf32, #tpu.memory_space<vmem>>, %arg3: memref<4096x384xf32, #tpu.memory_space<vmem>>, %arg4: memref<128x128xf32, #tpu.memory_space<vmem>>, %arg5: memref<1x128xf32, #tpu.memory_space<vmem>>, %arg6: memref<128x128xf32, #tpu.memory_space<vmem>>, %arg7: memref<1x128xf32, #tpu.memory_space<vmem>>, %arg8: memref<128x256xf32, #tpu.memory_space<vmem>>, %arg9: memref<384x256xf32, #tpu.memory_space<vmem>>, %arg10: memref<1x256xf32, #tpu.memory_space<vmem>>, %arg11: memref<256x128xf32, #tpu.memory_space<vmem>>, %arg12: memref<1x128xf32, #tpu.memory_space<vmem>>, %arg13: memref<1x1xf32, #tpu.memory_space<vmem>>, %arg14: memref<1x4096xf32, #tpu.memory_space<vmem>>) attributes {dimension_semantics = [#tpu.dimension_semantics<parallel>], iteration_bounds = array<i64: 4>, scalar_prefetch = 0 : i64, scratch_operands = 0 : i64, tpu.core_type = #tpu.core_type<tc>, window_params = [{transform_indices = @transform_0, window_bounds = array<i64: 4096, 128>}, {transform_indices = @transform_1, window_bounds = array<i64: 4096, 128>}, {transform_indices = @transform_2, window_bounds = array<i64: 4096, 384>}, {pipeline_mode = #tpu.pipeline_mode<synchronous>, transform_indices = @transform_3, window_bounds = array<i64: 128, 128>}, {pipeline_mode = #tpu.pipeline_mode<synchronous>, transform_indices = @transform_4, window_bounds = array<i64: 1, 128>}, {pipeline_mode = #tpu.pipeline_mode<synchronous>, transform_indices = @transform_5, window_bounds = array<i64: 128, 128>}, {pipeline_mode = #tpu.pipeline_mode<synchronous>, transform_indices = @transform_6, window_bounds = array<i64: 1, 128>}, {pipeline_mode = #tpu.pipeline_mode<synchronous>, transform_indices = @transform_7, window_bounds = array<i64: 128, 256>}, {pipeline_mode = #tpu.pipeline_mode<synchronous>, transform_indices = @transform_8, window_bounds = array<i64: 384, 256>}, {pipeline_mode = #tpu.pipeline_mode<synchronous>, transform_indices = @transform_9, window_bounds = array<i64: 1, 256>}, {pipeline_mode = #tpu.pipeline_mode<synchronous>, transform_indices = @transform_10, window_bounds = array<i64: 256, 128>}, {pipeline_mode = #tpu.pipeline_mode<synchronous>, transform_indices = @transform_11, window_bounds = array<i64: 1, 128>}, {pipeline_mode = #tpu.pipeline_mode<synchronous>, transform_indices = @transform_12, window_bounds = array<i64: 1, 1>}, {transform_indices = @transform_13, window_bounds = array<i64: 1, 4096>}]} {
    %get3A = arith.constant 0 : index
    %get3A_0 = arith.constant 0 : index
    %get3A_1 = vector.load %arg1[%get3A, %get3A_0] : memref<4096x128xf32, #tpu.memory_space<vmem>>, vector<4096x128xf32>
    %get3A_2 = arith.constant 0 : index
    %get3A_3 = arith.constant 0 : index
    %get3A_4 = vector.load %arg4[%get3A_2, %get3A_3] : memref<128x128xf32, #tpu.memory_space<vmem>>, vector<128x128xf32>
    %dot_general3A = arith.constant dense<0.000000e+00> : vector<4096x128xf32>
    %dot_general3A_5 = tpu.matmul %get3A_1, %get3A_4, %dot_general3A {dimension_numbers = #tpu.dot_dimension_numbers<[1], [0], [0], [1], [0, 0, 1, 1], [], []>, transpose_lhs_hint = false} : vector<4096x128xf32>, vector<128x128xf32>, vector<4096x128xf32> -> vector<4096x128xf32>
    %get3A_6 = arith.constant 0 : index
    %get3A_7 = arith.constant 0 : index
    %get3A_8 = vector.load %arg5[%get3A_6, %get3A_7] : memref<1x128xf32, #tpu.memory_space<vmem>>, vector<1x128xf32>
    %add3A = vector.broadcast %get3A_8 : vector<1x128xf32> to vector<4096x128xf32>
    %add3A_9 = arith.addf %dot_general3A_5, %add3A : vector<4096x128xf32>
    %max3A = arith.constant 0.000000e+00 : f32
    %max3A_10 = vector.broadcast %max3A : f32 to vector<4096x128xf32>
    %max3A_11 = arith.maximumf %add3A_9, %max3A_10 : vector<4096x128xf32>
    %get3A_12 = arith.constant 0 : index
    %get3A_13 = arith.constant 0 : index
    %get3A_14 = vector.load %arg6[%get3A_12, %get3A_13] : memref<128x128xf32, #tpu.memory_space<vmem>>, vector<128x128xf32>
    %dot_general3A_15 = arith.constant dense<0.000000e+00> : vector<4096x128xf32>
    %dot_general3A_16 = tpu.matmul %max3A_11, %get3A_14, %dot_general3A_15 {dimension_numbers = #tpu.dot_dimension_numbers<[1], [0], [0], [1], [0, 0, 1, 1], [], []>, transpose_lhs_hint = false} : vector<4096x128xf32>, vector<128x128xf32>, vector<4096x128xf32> -> vector<4096x128xf32>
    %get3A_17 = arith.constant 0 : index
    %get3A_18 = arith.constant 0 : index
    %get3A_19 = vector.load %arg7[%get3A_17, %get3A_18] : memref<1x128xf32, #tpu.memory_space<vmem>>, vector<1x128xf32>
    %add3A_20 = vector.broadcast %get3A_19 : vector<1x128xf32> to vector<4096x128xf32>
    %add3A_21 = arith.addf %dot_general3A_16, %add3A_20 : vector<4096x128xf32>
    %mul3A = arith.mulf %add3A_21, %add3A_21 : vector<4096x128xf32>
    %reduce_sum3A = arith.constant dense<0.000000e+00> : vector<4096xf32>
    %reduce_sum3A_22 = vector.multi_reduction <add>, %mul3A, %reduce_sum3A [1] : vector<4096x128xf32> to vector<4096xf32>
    %broadcast_in_dim3A = vector.shape_cast %reduce_sum3A_22 : vector<4096xf32> to vector<4096x1xf32>
    %max3A_23 = arith.constant 9.99999996E-13 : f32
    %max3A_24 = vector.broadcast %max3A_23 : f32 to vector<4096x1xf32>
    %max3A_25 = arith.maximumf %broadcast_in_dim3A, %max3A_24 : vector<4096x1xf32>
    %rsqrt3A = math.rsqrt %max3A_25 : vector<4096x1xf32>
    %mul3A_26 = vector.broadcast %rsqrt3A : vector<4096x1xf32> to vector<4096x128xf32>
    %mul3A_27 = arith.mulf %add3A_21, %mul3A_26 : vector<4096x128xf32>
    %get3A_28 = arith.constant 0 : index
    %get3A_29 = arith.constant 0 : index
    %get3A_30 = vector.load %arg2[%get3A_28, %get3A_29] : memref<4096x128xf32, #tpu.memory_space<vmem>>, vector<4096x128xf32>
    %get3A_31 = arith.constant 0 : index
    %get3A_32 = arith.constant 0 : index
    %get3A_33 = vector.load %arg8[%get3A_31, %get3A_32] : memref<128x256xf32, #tpu.memory_space<vmem>>, vector<128x256xf32>
    %dot_general3A_34 = arith.constant dense<0.000000e+00> : vector<4096x256xf32>
    %dot_general3A_35 = tpu.matmul %get3A_30, %get3A_33, %dot_general3A_34 {dimension_numbers = #tpu.dot_dimension_numbers<[1], [0], [0], [1], [0, 0, 1, 1], [], []>, transpose_lhs_hint = false} : vector<4096x128xf32>, vector<128x256xf32>, vector<4096x256xf32> -> vector<4096x256xf32>
    %get3A_36 = arith.constant 0 : index
    %get3A_37 = arith.constant 0 : index
    %get3A_38 = vector.load %arg3[%get3A_36, %get3A_37] : memref<4096x384xf32, #tpu.memory_space<vmem>>, vector<4096x384xf32>
    %get3A_39 = arith.constant 0 : index
    %get3A_40 = arith.constant 0 : index
    %get3A_41 = vector.load %arg9[%get3A_39, %get3A_40] : memref<384x256xf32, #tpu.memory_space<vmem>>, vector<384x256xf32>
    %dot_general3A_42 = arith.constant dense<0.000000e+00> : vector<4096x256xf32>
    %dot_general3A_43 = tpu.matmul %get3A_38, %get3A_41, %dot_general3A_42 {dimension_numbers = #tpu.dot_dimension_numbers<[1], [0], [0], [1], [0, 0, 1, 1], [], []>, transpose_lhs_hint = false} : vector<4096x384xf32>, vector<384x256xf32>, vector<4096x256xf32> -> vector<4096x256xf32>
    %add3A_44 = arith.addf %dot_general3A_35, %dot_general3A_43 : vector<4096x256xf32>
    %get3A_45 = arith.constant 0 : index
    %get3A_46 = arith.constant 0 : index
    %get3A_47 = vector.load %arg10[%get3A_45, %get3A_46] : memref<1x256xf32, #tpu.memory_space<vmem>>, vector<1x256xf32>
    %add3A_48 = vector.broadcast %get3A_47 : vector<1x256xf32> to vector<4096x256xf32>
    %add3A_49 = arith.addf %add3A_44, %add3A_48 : vector<4096x256xf32>
    %max3A_50 = arith.constant 0.000000e+00 : f32
    %max3A_51 = vector.broadcast %max3A_50 : f32 to vector<4096x256xf32>
    %max3A_52 = arith.maximumf %add3A_49, %max3A_51 : vector<4096x256xf32>
    %get3A_53 = arith.constant 0 : index
    %get3A_54 = arith.constant 0 : index
    %get3A_55 = vector.load %arg11[%get3A_53, %get3A_54] : memref<256x128xf32, #tpu.memory_space<vmem>>, vector<256x128xf32>
    %dot_general3A_56 = arith.constant dense<0.000000e+00> : vector<4096x128xf32>
    %dot_general3A_57 = tpu.matmul %max3A_52, %get3A_55, %dot_general3A_56 {dimension_numbers = #tpu.dot_dimension_numbers<[1], [0], [0], [1], [0, 0, 1, 1], [], []>, transpose_lhs_hint = false} : vector<4096x256xf32>, vector<256x128xf32>, vector<4096x128xf32> -> vector<4096x128xf32>
    %get3A_58 = arith.constant 0 : index
    %get3A_59 = arith.constant 0 : index
    %get3A_60 = vector.load %arg12[%get3A_58, %get3A_59] : memref<1x128xf32, #tpu.memory_space<vmem>>, vector<1x128xf32>
    %add3A_61 = vector.broadcast %get3A_60 : vector<1x128xf32> to vector<4096x128xf32>
    %add3A_62 = arith.addf %dot_general3A_57, %add3A_61 : vector<4096x128xf32>
    %mul3A_63 = arith.mulf %add3A_62, %add3A_62 : vector<4096x128xf32>
    %reduce_sum3A_64 = arith.constant dense<0.000000e+00> : vector<4096xf32>
    %reduce_sum3A_65 = vector.multi_reduction <add>, %mul3A_63, %reduce_sum3A_64 [1] : vector<4096x128xf32> to vector<4096xf32>
    %broadcast_in_dim3A_66 = vector.shape_cast %reduce_sum3A_65 : vector<4096xf32> to vector<4096x1xf32>
    %max3A_67 = arith.constant 9.99999996E-13 : f32
    %max3A_68 = vector.broadcast %max3A_67 : f32 to vector<4096x1xf32>
    %max3A_69 = arith.maximumf %broadcast_in_dim3A_66, %max3A_68 : vector<4096x1xf32>
    %rsqrt3A_70 = math.rsqrt %max3A_69 : vector<4096x1xf32>
    %mul3A_71 = vector.broadcast %rsqrt3A_70 : vector<4096x1xf32> to vector<4096x128xf32>
    %mul3A_72 = arith.mulf %add3A_62, %mul3A_71 : vector<4096x128xf32>
    %mul3A_73 = arith.mulf %mul3A_27, %mul3A_72 : vector<4096x128xf32>
    %transpose3A = tpu.transpose %mul3A_73, [1, 0] : vector<4096x128xf32> -> vector<128x4096xf32>
    %reduce_sum3A_74 = arith.constant dense<0.000000e+00> : vector<4096xf32>
    %reduce_sum3A_75 = vector.multi_reduction <add>, %transpose3A, %reduce_sum3A_74 [0] : vector<128x4096xf32> to vector<4096xf32>
    %broadcast_in_dim3A_76 = vector.shape_cast %reduce_sum3A_75 : vector<4096xf32> to vector<1x4096xf32>
    %get3A_77 = arith.constant 0 : index
    %get3A_78 = arith.constant 0 : index
    %get3A_79 = vector.load %arg13[%get3A_77, %get3A_78] : memref<1x1xf32, #tpu.memory_space<vmem>>, vector<1x1xf32>
    %get3A_80 = vector.extract %get3A_79[0, 0] : f32 from vector<1x1xf32>
    %div3A = vector.broadcast %get3A_80 : f32 to vector<1x4096xf32>
    %div3A_81 = arith.divf %broadcast_in_dim3A_76, %div3A : vector<1x4096xf32>
    %logistic3A = arith.negf %div3A_81 : vector<1x4096xf32>
    %logistic3A_82 = math.exp %logistic3A : vector<1x4096xf32>
    %logistic3A_83 = arith.constant 1.000000e+00 : f32
    %logistic3A_84 = vector.broadcast %logistic3A_83 : f32 to vector<1x4096xf32>
    %logistic3A_85 = arith.addf %logistic3A_84, %logistic3A_82 : vector<1x4096xf32>
    %logistic3A_86 = arith.divf %logistic3A_84, %logistic3A_85 : vector<1x4096xf32>
    %swap3A = arith.constant 0 : index
    %swap3A_87 = arith.constant 0 : index
    %swap3A_88 = vector.load %arg14[%swap3A, %swap3A_87] : memref<1x4096xf32, #tpu.memory_space<vmem>>, vector<1x4096xf32>
    tpu.vector_store %arg14[%swap3A, %swap3A_87], %logistic3A_86 {strides = array<i32>} : memref<1x4096xf32, #tpu.memory_space<vmem>>, vector<1x4096xf32>,
    return
  }
  func.func @transform_0(%arg0: i32) -> (i32, i32) {
    %c0_i32 = arith.constant 0 : i32
    %c0_i32_0 = arith.constant 0 : i32
    return %arg0, %c0_i32 : i32, i32
  }
  func.func @transform_1(%arg0: i32) -> (i32, i32) {
    %c0_i32 = arith.constant 0 : i32
    %c0_i32_0 = arith.constant 0 : i32
    return %arg0, %c0_i32 : i32, i32
  }
  func.func @transform_2(%arg0: i32) -> (i32, i32) {
    %c0_i32 = arith.constant 0 : i32
    %c0_i32_0 = arith.constant 0 : i32
    return %arg0, %c0_i32 : i32, i32
  }
  func.func @transform_3(%arg0: i32) -> (i32, i32) {
    %c0_i32 = arith.constant 0 : i32
    %c0_i32_0 = arith.constant 0 : i32
    %c0_i32_1 = arith.constant 0 : i32
    return %c0_i32, %c0_i32_0 : i32, i32
  }
  func.func @transform_4(%arg0: i32) -> (i32, i32) {
    %c0_i32 = arith.constant 0 : i32
    %c0_i32_0 = arith.constant 0 : i32
    %c0_i32_1 = arith.constant 0 : i32
    return %c0_i32, %c0_i32_0 : i32, i32
  }
  func.func @transform_5(%arg0: i32) -> (i32, i32) {
    %c0_i32 = arith.constant 0 : i32
    %c0_i32_0 = arith.constant 0 : i32
    %c0_i32_1 = arith.constant 0 : i32
    return %c0_i32, %c0_i32_0 : i32, i32
  }
  func.func @transform_6(%arg0: i32) -> (i32, i32) {
    %c0_i32 = arith.constant 0 : i32
    %c0_i32_0 = arith.constant 0 : i32
    %c0_i32_1 = arith.constant 0 : i32
    return %c0_i32, %c0_i32_0 : i32, i32
  }
  func.func @transform_7(%arg0: i32) -> (i32, i32) {
    %c0_i32 = arith.constant 0 : i32
    %c0_i32_0 = arith.constant 0 : i32
    %c0_i32_1 = arith.constant 0 : i32
    return %c0_i32, %c0_i32_0 : i32, i32
  }
  func.func @transform_8(%arg0: i32) -> (i32, i32) {
    %c0_i32 = arith.constant 0 : i32
    %c0_i32_0 = arith.constant 0 : i32
    %c0_i32_1 = arith.constant 0 : i32
    return %c0_i32, %c0_i32_0 : i32, i32
  }
  func.func @transform_9(%arg0: i32) -> (i32, i32) {
    %c0_i32 = arith.constant 0 : i32
    %c0_i32_0 = arith.constant 0 : i32
    %c0_i32_1 = arith.constant 0 : i32
    return %c0_i32, %c0_i32_0 : i32, i32
  }
  func.func @transform_10(%arg0: i32) -> (i32, i32) {
    %c0_i32 = arith.constant 0 : i32
    %c0_i32_0 = arith.constant 0 : i32
    %c0_i32_1 = arith.constant 0 : i32
    return %c0_i32, %c0_i32_0 : i32, i32
  }
  func.func @transform_11(%arg0: i32) -> (i32, i32) {
    %c0_i32 = arith.constant 0 : i32
    %c0_i32_0 = arith.constant 0 : i32
    %c0_i32_1 = arith.constant 0 : i32
    return %c0_i32, %c0_i32_0 : i32, i32
  }
  func.func @transform_12(%arg0: i32) -> (i32, i32) {
    %c0_i32 = arith.constant 0 : i32
    %c0_i32_0 = arith.constant 0 : i32
    %c0_i32_1 = arith.constant 0 : i32
    return %c0_i32, %c0_i32_0 : i32, i32
  }
  func.func @transform_13(%arg0: i32) -> (i32, i32) {
    %c0_i32 = arith.constant 0 : i32
    %c0_i32_0 = arith.constant 0 : i32
    return %c0_i32, %arg0 : i32, i32
  }
}

</mosaic_0001>

<sc_bundles>
// kernel: kernel.4.cloned.1.call-start
scs
__scs_entry_jumppad:
0x0: {  	(pc) =	sbr.rel $0x88, $3  }
0x1: {  	(tag) =	ssettag $0x0;
	lr =	simm.s32 $0x1  }
0x2: {  	[smem:$0x3F93] =	sst lr;
	_ =	strace $0xD0000000  }
0x3: {  	_ = 	snop  }
0x4: {  	_ = 	snop  }
0x5: {  	_ = 	snop  }
0x6: {  	_ = 	snop  }
0x7: {  	_ = 	snop  }
__scs_overlays_trampoline_lowered:
0x8: {  	[smem:$0x3FA2] =	sst s0  }
0x9: {  	[smem:$0x3FA3] =	sst s1  }
0xa: {  	[smem:$0x3FA4] =	sst s2  }
0xb: {  	[smem:$0x3FA5] =	sst s3  }
0xc: {  	[smem:$0x3FA6] =	sst s4  }
0xd: {  	[smem:$0x3FA7] =	sst s5  }
0xe: {  	[smem:$0x3FA8] =	sst s6  }
0xf: {  	[smem:$0x3FA9] =	sst s7  }
0x10: {  	[smem:$0x3FAA] =	sst s8  }
0x11: {  	[smem:$0x3FAB] =	sst s9;
	s0 =	simm.s32 @!p0 $0x0  }
0x12: {  	s1 =	sld [smem:$0x3F91];
	s0 =	simm.s32 @p0 $0x1  }
0x13: {  	[smem:$0x3FAC] =	sst s0;
	s0 =	simm.s32 @!p1 $0x0  }
0x14: {  	s2 =	sld [smem:$0x3F90];
	s0 =	simm.s32 @p1 $0x1  }
0x15: {  	[smem:$0x3FAD] =	sst s0;
	s0 =	simm.s32 @!p2 $0x0  }
0x16: {  	s3 =	sld [smem:$0x3FDB];
	s0 =	simm.s32 @p2 $0x1  }
0x17: {  	s4 =	simm.s32 $0x1BF5;
	[smem:$0x3FAF] =	sst s0  }
0x18: {  	s0 =	sld [smem:$0x3F92];
	_ =	swait.ge [sflag:s4], $0x0  }
0x19: {  	s7 =	sld [smem:$0x3F93]  }
0x1a: {  	s8 =	sadd.s32 $0xFFFFE003, lr  }
0x1b: {  	s9 =	sadd.s32 $0xFFFFFEF7, lr;
	s5 =	simm.s32 $0xFFFFFFFF;
	p2 =	slt.u32 s8, $0xFFFFF086  }
0x1c: {  	p1 =	slt.u32 s9, $0xF7A;
	s5 =	simm.s32 @!p2 $0x0  }
0x1d: {  	s5 =	simm.s32 @p1 $0x1;
	p0 =	seq.s32 s7, s2  }
0x1e: {  	s7 =	smul.u32 @!p0 $0xF7A, s2;
	p2 =	seq.s32 @!p0 s5, $0x0  }
0x1f: {  	s9 =	smul.u32 $0xF7A, s1;
	s8 =	simm.s32 @!p0 $0x1BF5;
	p2 =	por !p2, p0  }
0x20: {  	[sflag:s8] =	ssyncset.s32 @!p0 $0xFFFFF086;
	s6 =	sadd.s32 @!p0 s3, s7;
	s7 =	simm.s32 @!p0 $0x108  }
0x21: {  	s3 =	sadd.s32 s3, s9;
	s6 =	sadd.s32 @!p0 $0x88, s6;
	s7 =	simm.s32 @p2 $0x1082  }
0x22: {  	[simem:s7], [sflag:s8] =	dma.local @!p0 [hbm:s6], $0xF7A  }
0x23: {  	s9 =	sor.u32 $0xD0000000, s2;
	s6 =	simm.s32 $0x108;
	_ =	swait.ge @!p0 [sflag:s8], $0x0  }
0x24: {  	s3 =	sadd.s32 $0x88, s3;
	s6 =	simm.s32 @!p1 $0x1082;
	[sflag:s4] =	ssyncset.s32 $0xFFFFF086  }
0x25: {  	[simem:s6], [sflag:s4] =	dma.local [hbm:s3], $0xF7A  }
0x26: {  	[smem:$0x3F93] =	sst s1;
	(tag) =	ssettag s2;
	_ =	strace s9  }
0x27: {  	s1 =	sld [smem:$0x3FA3]  }
0x28: {  	s2 =	sld [smem:$0x3FA4]  }
0x29: {  	s4 =	sld [smem:$0x3FA6]  }
0x2a: {  	p0 =	seq.s32 s5, $0x0;
	s5 =	sld [smem:$0x3FA7]  }
0x2b: {  	s6 =	sld [smem:$0x3FA8]  }
0x2c: {  	s7 =	sld [smem:$0x3FA9]  }
0x2d: {  	s3 =	simm.s32 $0x108;
	s8 =	sld [smem:$0x3FAA]  }
0x2e: {  	s3 =	simm.s32 @!p0 $0x1082;
	s9 =	sld [smem:$0x3FAB]  }
0x2f: {  	lr =	sadd.s32 s0, s3;
	s0 =	sld [smem:$0x3FA2]  }
0x30: {  	s3 =	sld [smem:$0x3FA5]  }
0x31: {  	[smem:$0x3FAE] =	sst s10  }
0x32: {  	s10 =	sld [smem:$0x3FAC];
	_ =	sdelay $0x3  }
0x33: {  	p0 =	seq.s32 s10, $0x1;
	s10 =	sld [smem:$0x3FAE];
	_ =	sdelay $0x3  }
0x34: {  	[smem:$0x3FAE] =	sst s10  }
0x35: {  	s10 =	sld [smem:$0x3FAD];
	_ =	sdelay $0x3  }
0x36: {  	p1 =	seq.s32 s10, $0x1;
	s10 =	sld [smem:$0x3FAE];
	_ =	sdelay $0x3  }
0x37: {  	[smem:$0x3FAE] =	sst s10  }
0x38: {  	s10 =	sld [smem:$0x3FAF]  }
0x39: {  	_ = 	snop;
	(pc) =	sbr.ind lr, $3  }
0x3a: {  	_ = 	snop  }
0x3b: {  	_ = 	snop  }
0x3c: {  	p2 =	seq.s32 s10, $0x1;
	s10 =	sld [smem:$0x3FAE]  }
0x3d: {  	_ =	shalt  }
0x3e: {  	_ =	shalt  }
0x3f: {  	_ =	shalt  }
0x40: {  	_ =	shalt  }
0x41: {  	_ =	shalt  }
0x42: {  	_ =	shalt  }
0x43: {  	_ =	shalt  }
0x44: {  	_ =	shalt  }
0x45: {  	_ =	shalt  }
0x46: {  	_ =	shalt  }
0x47: {  	_ =	shalt  }
0x48: {  	_ =	shalt  }
0x49: {  	_ =	shalt  }
0x4a: {  	_ =	shalt  }
0x4b: {  	_ =	shalt  }
0x4c: {  	_ =	shalt  }
0x4d: {  	_ =	shalt  }
0x4e: {  	_ =	shalt  }
0x4f: {  	_ =	shalt  }
0x50: {  	_ =	shalt  }
0x51: {  	_ =	shalt  }
0x52: {  	_ =	shalt  }
0x53: {  	_ =	shalt  }
0x54: {  	_ =	shalt  }
0x55: {  	_ =	shalt  }
0x56: {  	_ =	shalt  }
0x57: {  	_ =	shalt  }
0x58: {  	_ =	shalt  }
0x59: {  	_ =	shalt  }
0x5a: {  	_ =	shalt  }
0x5b: {  	_ =	shalt  }
0x5c: {  	_ =	shalt  }
0x5d: {  	_ =	shalt  }
0x5e: {  	_ =	shalt  }
0x5f: {  	_ =	shalt  }
0x60: {  	_ =	shalt  }
0x61: {  	_ =	shalt  }
0x62: {  	_ =	shalt  }
0x63: {  	_ =	shalt  }
0x64: {  	_ =	shalt  }
0x65: {  	_ =	shalt  }
0x66: {  	_ =	shalt  }
0x67: {  	_ =	shalt  }
0x68: {  	_ =	shalt  }
0x69: {  	_ =	shalt  }
0x6a: {  	_ =	shalt  }
0x6b: {  	_ =	shalt  }
0x6c: {  	_ =	shalt  }
0x6d: {  	_ =	shalt  }
0x6e: {  	_ =	shalt  }
0x6f: {  	_ =	shalt  }
0x70: {  	_ =	shalt  }
0x71: {  	_ =	shalt  }
0x72: {  	_ =	shalt  }
0x73: {  	_ =	shalt  }
0x74: {  	_ =	shalt  }
0x75: {  	_ =	shalt  }
0x76: {  	_ =	shalt  }
0x77: {  	_ =	shalt  }
0x78: {  	_ =	shalt  }
0x79: {  	_ =	shalt  }
0x7a: {  	_ =	shalt  }
0x7b: {  	_ =	shalt  }
0x7c: {  	_ =	shalt  }
0x7d: {  	_ =	shalt  }
0x7e: {  	_ =	shalt  }
0x7f: {  	_ =	shalt  }
0x80: {  	_ =	shalt  }
0x81: {  	_ =	shalt  }
0x82: {  	_ =	shalt  }
0x83: {  	_ =	shalt  }
0x84: {  	_ =	shalt  }
0x85: {  	_ =	shalt  }
0x86: {  	_ =	shalt  }
0x87: {  	_ =	shalt  }
.Lfunc_end0:
.L_simem_size_0:
called_computation_lowered:
.L_overlay_start_0:
0x88: {  	s2 =	sld [smem:$0x3FD9]  }
0x89: {  	s3 =	sld [smem:$0x3FFE];
	_ =	sdelay $0x1  }
0x8a: {  	s1 =	srdreg.scid  }
0x8b: {  	s0 =	sand.u32 $0x1, s1  }
0x8c: {  	s17 =	sshll.u32 s0, $0xA;
	s2 =	sadd.s32 s3, s2  }
0x8d: {  	s2 =	sadd.s32 s2, s17  }
0x8e: {  	[smem:$0x3FBA] =	sst s2  }
0x8f: {  	_ = 	snop  }
0x90: {  	s2 =	sld [smem:$0x3FC9]  }
0x91: {  	s18 =	sld [smem:$0x3FC8]  }
0x92: {  	s4 =	sld [smem:$0x3FC6]  }
0x93: {  	s5 =	sld [smem:$0x3FC5];
	(tm) =	ssettm $0x1  }
0x94: {  	s6 =	sld [smem:$0x3FFB];
	_ =	sdelay $0x3  }
0x95: {  	_ =	strace s6  }
0x96: {  	s6 =	sld [smem:$0x3FFC];
	_ =	sdelay $0x3  }
0x97: {  	_ =	strace s6  }
0x98: {  	s6 =	sld [smem:$0x3FFD];
	_ =	sdelay $0x3  }
0x99: {  	_ =	strace s6  }
0x9a: {  	_ =	strace $0x8FFFFFFF  }
0x9b: {  	s19 =	sld [smem:$0x3FDB];
	_ =	sdelay $0x1  }
0x9c: {  	s7 =	simm.s32 $_scs_section_size  }
0x9d: {  	s8 =	simm.s32 $_size__tile_overlayer_lowered;
	s9 =	simm.s32 $_tile_overlayer_lowered  }
0x9e: {  	s22 =	simm.s32 $0x1BFF;
	s21 =	sshll.u32 s9, $0x1;
	s6 =	sadd.s32 s7, s19  }
0x9f: {  	s10 =	simm.s32 $0x0;
	s20 =	sshll.u32 s8, $0x1;
	s8 =	sadd.s32 s21, s6  }
0xa0: {  	[timem:s10], [sflag:s22] =	dma.local [hbm:s8], s20  }
0xa1: {  	_ =	swait.ge [sflag:s22], s20  }
0xa2: {  	s7 =	ssub.s32 $0x0, s20;
	[sflag:s22] =	ssyncset.done $0x0  }
0xa3: {  	[sflag:s22] =	ssyncadd.s32 s7;
	_ =	sdelay $0x1  }
0xa4: {  	s23 =	simm.s32 $0x1B8B  }
0xa5: {  	_ =	swait.ge [sflag:s23], $0x1  }
0xa6: {  	[sflag:s23] =	ssyncset.done $0x0  }
0xa7: {  	s25 =	simm.s32 $0x1B8E;
	s24 =	sld [smem:$0x3FFE];
	[sflag:s23] =	ssyncadd.s32 $0xFFFFFFFF  }
0xa8: {  	s26 =	simm.s32 $execute0_lowered;
	[smem:$0x3FD2] =	sst s25  }
0xa9: {  	s8 =	sshll.u32 s26, $0x1;
	_ =	strace $0x80000046;
	[dreg:$0x1] =	wrdreg $0xFFFFFFFF  }
0xaa: {  	s28 =	simm.s32 $_size_execute0_lowered;
	s6 =	sadd.s32 s6, s8;
	[dreg:$0x0] =	wrdreg $0x0  }
0xab: {  	s8 =	sshll.u32 s28, $0x1;
	[dreg:$0x2] =	wrdreg s6  }
0xac: {  	[dreg:$0x3] =	wrdreg s8  }
0xad: {  	[dreg:$0x4] =	wrdreg $0xC0  }
0xae: {  	_ =	task [dreg:s10], $0x5FFFF  }
0xaf: {  	[dreg:$0x1] =	wrdreg $0xFFFFFFFF  }
0xb0: {  	[dreg:$0x0] =	wrdreg $0x60  }
0xb1: {  	[dreg:$0x2] =	wrdreg s4  }
0xb2: {  	[dreg:$0x3] =	wrdreg s5  }
0xb3: {  	[dreg:$0x4] =	wrdreg s2  }
0xb4: {  	[dreg:$0x5] =	wrdreg s18  }
0xb5: {  	[dreg:$0x6] =	wrdreg s24  }
0xb6: {  	[dreg:$0x7] =	wrdreg $0x9  }
0xb7: {  	_ =	task.clear_ibuf [dreg:s10], $0x8FFFF;
	_ =	strace $0x90000046  }
0xb8: {  	s29 =	simm.s32 $0x9;
	_ =	strace $0x80000048  }
0xb9: {  	_ =	swait.ge [sflag:s29], $0x1  }
0xba: {  	[sflag:s29] =	ssyncadd.s32 $0xFFFFFFFF  }
0xbb: {  	_ =	strace $0x90000048  }
0xbc: {  	_ =	sfence  }
0xbd: {  	s30 =	sld [smem:$0x0];
	_ =	sdelay $0x2  }
0xbe: {  	s31 =	sshll.u32 s1, $0xD;
	s1 =	sshrl.u32 s1, $0x2  }
0xbf: {  	s3 =	sand.u32 $0x4000, s31;
	s1 =	sadd.s32 s1, s30  }
0xc0: {  	s0 =	sor.u32 s3, s0;
	s1 =	sshll.u32 s1, $0x11  }
0xc1: {  	s0 =	sor.u32 s1, s0  }
0xc2: {  	s0 =	sadd.s32 $0x8F2B, s0  }
0xc3: {  	[sflag:s0] =	ssyncadd.remote.s32 $0x1  }
0xc4: {  	_ =	sfence.sel $0xFFFF  }
0xc5: {  	[dreg:$0x0] =	wrdreg $0xFFFFFFFF;
	(pc) =	sbr.abs _section_cstart, $3  }
0xc6: {  	[dreg:$0x1] =	wrdreg $0xFFFFFFFF  }
0xc7: {  	_ =	task.clear_ibuf [dreg:s10], $0x2FFFF;
	_ =	strace $0x9FFFFFFF  }
0xc8: {  	(tm) =	ssettm $0x7FFFFFFF  }
0xc9: {  	_ =	shalt  }
tec
execute0_lowered:
.L_overlay_start_1:
0x0: {  	(tag) =	ssettag $0x1  }
0x1: {  	s1 =	rddreg [dreg:$0x0]  }
0x2: {  	s2 =	rddreg [dreg:$0x1]  }
0x3: {  	s5 =	rddreg [dreg:$0x2];
	s3 =	srdreg.scid  }
0x4: {  	s10 =	rddreg [dreg:$0x3];
	s0 =	stileid.u32;
	s11 =	sand.u32 $0x1, s3  }
0x5: {  	s9 =	rddreg [dreg:$0x4];
	s6 =	sshll.u32 s0, $0xA;
	s7 =	sshll.u32 s11, $0x9  }
0x6: {  	s4 =	simm.s32 $0x0;
	s3 =	rddreg [dreg:$0x5];
	s12 =	sor.u32 s7, s6  }
0x7: {  	[smem:$0x7FF] =	sst s4;
	s13 =	sshrl.u32 s12, $0x3  }
0x8: {  	_ =	strace $0x80000047;
	s6 =	sadd.s32 s5, s13;
	s5 =	simm.s32 $0x2  }
0x9: {  	[tilespmem:s4], [sflag:$0x2] =	stream.linear.gather [hbm4b:s6+s4], $0x200, $0x38;
	[tilespmem:$0x10200] =	vst v63  }
0xa: {  	_ =	swait.ge [sflag:s5], $0x200  }
0xb: {  	[sflag:s5] =	ssyncset.done $0x0  }
0xc: {  	s8 =	simm.s32 $0x1;
	s7 =	simm.s32 $0x200;
	[sflag:s5] =	ssyncadd.s32 $0xFFFFFE00  }
0xd: {  	[tilespmem:s7], [sflag:$0x1] =	stream.indirect.gather [hbm4b:s1+s7], $0x80, s4, s7, $0xb8;
	[tilespmem:$0x10200] =	vst v63  }
0xe: {  	s12 =	sshll.u32 s12, $0x4;
	_ =	swait.ge [sflag:s8], $0x10000  }
0xf: {  	s12 =	sadd.s32 s12, s9;
	[sflag:s8] =	ssyncset.done $0x0  }
0x10: {  	s9 =	sadd.s32 $0x1C00, s12;
	[sflag:s8] =	ssyncadd.s32 $0xFFFF0000  }
0x11: {  	[hbm4b:s9+s4] =	stream.linear.scatter [tilespmem:s7], [sflag:$0x2], $0x10000, $0x38;
	[tilespmem:$0x10200] =	vst v63  }
0x12: {  	_ =	swait.ge [sflag:s5], $0x10000  }
0x13: {  	[sflag:s5] =	ssyncset.done $0x0  }
0x14: {  	s11 =	ssub.s32 $0x2, s11;
	s10 =	sadd.s32 s10, s13;
	[sflag:s5] =	ssyncadd.s32 $0xFFFF0000  }
0x15: {  	[tilespmem:s4], [sflag:$0x2] =	stream.linear.gather [hbm4b:s10+s4], $0x200, $0x38;
	[tilespmem:$0x10200] =	vst v63  }
0x16: {  	s30 =	sshrl.u32 s11, $0x1;
	_ =	swait.ge [sflag:s5], $0x200  }
0x17: {  	s13 =	ssub.s32 s11, s30;
	[sflag:s5] =	ssyncset.done $0x0  }
0x18: {  	s31 =	smax.u32 s13, $0x1;
	[sflag:s5] =	ssyncadd.s32 $0xFFFFFE00  }
0x19: {  	[tilespmem:s7], [sflag:$0x1] =	stream.indirect.gather [hbm4b:s2+s7], $0x80, s4, s7, $0xb8;
	[tilespmem:$0x10200] =	vst v63  }
0x1a: {  	p0 =	sne.s32 s31, $0x1;
	_ =	swait.ge [sflag:s8], $0x10000  }
.Ltmp0:
0x1b: {  	[sflag:s8] =	ssyncset.done $0x0;
	(pc) =	sbr.rel @!p0 .LBB2_2-.Ltmp0, $4  }
0x1c: {  	s11 =	sadd.s32 $0x41C00, s12;
	[sflag:s8] =	ssyncadd.s32 $0xFFFF0000  }
0x1d: {  	[hbm4b:s11+s4] =	stream.linear.scatter [tilespmem:s7], [sflag:$0x2], $0x10000, $0x38;
	[tilespmem:$0x10200] =	vst v63  }
0x1e: {  	_ =	swait.ge [sflag:s5], $0x10000  }
0x1f: {  	s12 =	sadd.s32 $0xFFFFFFFF, s31;
	[sflag:s5] =	ssyncset.done $0x0  }
.LBB2_1:
0x20: {  	p0 =	sne.s32 s12, $0x1;
	s12 =	sadd.s32 $0xFFFFFFFF, s12;
	[sflag:s5] =	ssyncadd.s32 $0xFFFF0000  }
0x21: {  	[tilespmem:s4], [sflag:$0x2] =	stream.linear.gather [hbm4b:s6+s4], $0x200, $0x38;
	[tilespmem:$0x10200] =	vst v63  }
0x22: {  	_ =	swait.ge [sflag:s5], $0x200  }
0x23: {  	[sflag:s5] =	ssyncset.done $0x0  }
0x24: {  	[sflag:s5] =	ssyncadd.s32 $0xFFFFFE00  }
0x25: {  	[tilespmem:s7], [sflag:$0x1] =	stream.indirect.gather [hbm4b:s1+s7], $0x80, s4, s7, $0xb8;
	[tilespmem:$0x10200] =	vst v63  }
0x26: {  	_ =	swait.ge [sflag:s8], $0x10000  }
0x27: {  	[sflag:s8] =	ssyncset.done $0x0  }
0x28: {  	[sflag:s8] =	ssyncadd.s32 $0xFFFF0000  }
0x29: {  	[hbm4b:s9+s4] =	stream.linear.scatter [tilespmem:s7], [sflag:$0x2], $0x10000, $0x38;
	[tilespmem:$0x10200] =	vst v63  }
0x2a: {  	_ =	swait.ge [sflag:s5], $0x10000  }
0x2b: {  	[sflag:s5] =	ssyncset.done $0x0  }
0x2c: {  	[sflag:s5] =	ssyncadd.s32 $0xFFFF0000  }
0x2d: {  	[tilespmem:s4], [sflag:$0x2] =	stream.linear.gather [hbm4b:s10+s4], $0x200, $0x38;
	[tilespmem:$0x10200] =	vst v63  }
0x2e: {  	_ =	swait.ge [sflag:s5], $0x200  }
0x2f: {  	[sflag:s5] =	ssyncset.done $0x0  }
0x30: {  	[sflag:s5] =	ssyncadd.s32 $0xFFFFFE00  }
0x31: {  	[tilespmem:s7], [sflag:$0x1] =	stream.indirect.gather [hbm4b:s2+s7], $0x80, s4, s7, $0xb8;
	[tilespmem:$0x10200] =	vst v63  }
0x32: {  	_ =	swait.ge [sflag:s8], $0x10000  }
.Ltmp1:
0x33: {  	[sflag:s8] =	ssyncset.done $0x0;
	(pc) =	sbr.rel @p0 .LBB2_1-.Ltmp1, $4  }
0x34: {  	[sflag:s8] =	ssyncadd.s32 $0xFFFF0000  }
0x35: {  	[hbm4b:s11+s4] =	stream.linear.scatter [tilespmem:s7], [sflag:$0x2], $0x10000, $0x38;
	[tilespmem:$0x10200] =	vst v63  }
0x36: {  	_ =	swait.ge [sflag:s5], $0x10000  }
0x37: {  	[sflag:s5] =	ssyncset.done $0x0  }
.LBB2_2:
0x38: {  	[sflag:s5] =	ssyncadd.s32 $0xFFFF0000  }
0x39: {  	_ =	sfence.sel $0x180000  }
0x3a: {  	[bflag:$0x0] =	sbarrier.arrive $0xFFFF  }
0x3b: {  	p0 =	sne.s32 s0, $0x0;
	_ =	strace $0x90000047  }
0x3c: {  	s0 =	sadd.s32 @!p0 $0x100000, s3;
	[bflag:$0x2] =	sbarrier.arrive $0xFFFF  }
0x3d: {  	[sflag:s0] =	ssyncadd.tile.s32 @!p0 $0x1;
	_ =	shalt  }
.Lfunc_end2:
_tile_overlayer_lowered:
.L_overlay_start_2:
0x3e: {  	(tag) =	ssettag $0x2  }
0x3f: {  	s0 =	rddreg [dreg:$0x0];
	s2 =	stileid.u32  }
0x40: {  	s1 =	rddreg [dreg:$0x1];
	p0 =	sne.s32 s2, $0x0  }
0x41: {  	s3 =	rddreg [dreg:$0x2];
	[bflag:$0x3] =	sbarrier.arrive $0xFFFF;
	s2 =	simm.s32 @!p0 $0x1C02  }
0x42: {  	[timem:s3], [sflag:s2] =	dma.local @!p0 [hbm:s0], s1  }
0x43: {  	s0 =	simm.s32 @!p0 $0x2  }
0x44: {  	_ =	swait.ge @!p0 [sflag:s0], s1  }
0x45: {  	s1 =	ssub.s32 @!p0 $0x0, s1;
	[sflag:s0] =	ssyncset.done @!p0 $0x0  }
0x46: {  	[sflag:s0] =	ssyncadd.s32 @!p0 s1  }
0x47: {  	[bflag:$0x3] =	sbarrier.arrive $0xFFFF  }
0x48: {  	_ =	shalt  }

</sc_bundles>
